<compile_context>
chip_gen: v7x
topology: tpu7x:2x2x1
jax: 0.10.2.dev20260603
libtpu: 0.0.44.dev20260713+nightly
codegen_flags: <defaults>
</compile_context>

<pallas_src>
import jax
import jax.numpy as jnp
from jax import lax
from jax.experimental import pallas as pl
from jax.experimental.pallas import tpu as pltpu
from jax.experimental.pallas import tpu_sc as plsc

B = 4096
S = 200
D = 128
ROWS = B * S

NC = 2
NS = 16
NW = NC * NS
BAT_W = B // NW
CHUNK = S // 2
NHALF = 3
NIDX = 4


def _body(idx_hbm, tab_hbm, pos_hbm, out_hbm, idx_v, rows_v, pos_v,
          sem_i, sem_g, sem_o):
    wid = lax.axis_index("s") * NC + lax.axis_index("c")
    wbase = wid * BAT_W * S
    cbase = wid * 2 * BAT_W

    pltpu.sync_copy(pos_hbm, pos_v)

    def fire_idx(p):
        pltpu.async_copy(idx_hbm.at[pl.ds(cbase + 2 * p, 2)],
                         idx_v.at[lax.rem(p, NIDX)], sem_i)

    def wait_idx(p):
        pltpu.make_async_copy(idx_hbm.at[pl.ds(0, 2)],
                              idx_v.at[lax.rem(p, NIDX)], sem_i).wait()

    def fire_pair(p):
        half = lax.rem(p, NHALF)
        islot = lax.rem(p, NIDX)
        pltpu.async_copy(tab_hbm.at[idx_v.at[islot, 0]],
                         rows_v.at[pl.ds(half * S, CHUNK)], sem_g)
        pltpu.async_copy(tab_hbm.at[idx_v.at[islot, 1]],
                         rows_v.at[pl.ds(half * S + CHUNK, CHUNK)], sem_g)

    fire_idx(0)
    fire_idx(1)
    fire_idx(2)
    wait_idx(0)
    fire_pair(0)
    wait_idx(1)
    fire_pair(1)

    def batch_step(p, _):
        half = lax.rem(p, NHALF)
        base_v = half * S
        g = wbase + p * S

        @pl.when(p + 3 < BAT_W)
        def _():
            fire_idx(p + 3)

        pltpu.make_async_copy(tab_hbm.at[pl.ds(0, S)],
                              rows_v.at[pl.ds(base_v, S)], sem_g).wait()

        @plsc.parallel_loop(0, S, unroll=2)
        def row_step(r):
            for j in range(D // 16):
                sl = pl.ds(j * 16, 16)
                plsc.addupdate(rows_v.at[base_v + r, sl], pos_v[r, sl])

        @pl.when(p >= 1)
        def _():
            pltpu.make_async_copy(
                rows_v.at[pl.ds(lax.rem(p - 1, NHALF) * S, S)],
                out_hbm.at[pl.ds(g - S, S)], sem_o).wait()

        pltpu.async_copy(rows_v.at[pl.ds(base_v, S)],
                         out_hbm.at[pl.ds(g, S)], sem_o)

        @pl.when(p + 2 < BAT_W)
        def _():
            wait_idx(p + 2)
            fire_pair(p + 2)

        return 0

    lax.fori_loop(0, BAT_W, batch_step, 0)
    pltpu.make_async_copy(
        rows_v.at[pl.ds(lax.rem(BAT_W - 1, NHALF) * S, S)],
        out_hbm.at[pl.ds(wbase + (BAT_W - 1) * S, S)], sem_o).wait()


@jax.jit
def _embed(idx2d, response_table, position_table):
    mesh = plsc.VectorSubcoreMesh(core_axis_name="c", subcore_axis_name="s",
                                  num_cores=NC, num_subcores=NS)
    run = pl.kernel(
        _body,
        out_type=jax.ShapeDtypeStruct((ROWS, D), jnp.float32),
        mesh=mesh,
        scratch_types=[
            pltpu.VMEM((NIDX, 2, CHUNK), jnp.int32),
            pltpu.VMEM((NHALF * S, D), jnp.float32),
            pltpu.VMEM((S, D), jnp.float32),
            pltpu.SemaphoreType.DMA,
            pltpu.SemaphoreType.DMA,
            pltpu.SemaphoreType.DMA,
        ],
    )
    return run(idx2d, response_table, position_table)


def kernel(responses, response_table, position_table):
    idx2d = responses.reshape(ROWS // CHUNK, CHUNK).astype(jnp.int32)
    out = _embed(idx2d, response_table, position_table)
    return out.reshape(B, S, D)

# --- scband reference (transcript-rebuilt; emitter-appended) ---
"""Pipeline reference for scband-decoder-embedding-67061619359840 (READ-ONLY COPY).

The authoritative reference and input builder live on the scoring server;
editing this copy changes nothing except your own understanding.
"""

import jax, jax.numpy as jnp
import numpy as np

CON = 1  # Config.CON assumed = 1
N_RESPONSES = 100000
N_DIMS = 128
SEQ_LEN = 200
BATCH = 4096


def setup_inputs(seed: int = 0) -> dict:
    key = jax.random.key(seed)
    k1, k2, k3 = jax.random.split(key, 3)
    responses = jax.random.randint(k1, (BATCH, SEQ_LEN), 0, N_RESPONSES, dtype=jnp.int64 if jax.config.jax_enable_x64 else jnp.int32)
    response_table = jax.random.normal(k2, (N_RESPONSES, CON * N_DIMS), dtype=jnp.float32)
    position_table = jax.random.normal(k3, (SEQ_LEN, CON * N_DIMS), dtype=jnp.float32)
    return {"responses": responses, "response_table": response_table, "position_table": position_table}


def reference(responses, response_table, position_table):
    # r = self.response_embed(responses.long())
    r = jnp.take(response_table, responses, axis=0)  # [B, S, CON*D]
    # seq = torch.arange(self.seq_len).unsqueeze(0); p = self.position_embed(seq)
    seq = jnp.arange(SEQ_LEN)[None, :]  # [1, S]
    p = jnp.take(position_table, seq, axis=0)  # [1, S, CON*D]
    return p + r

if __name__ == "__main__":
    import jax
    _d = setup_inputs()
    print(jax.jit(kernel)(*tuple(_d.values())))

</pallas_src>

<mosaic_0001>
#map = affine_map<(d0, d1) -> (0, 0)>
module attributes {stable_mosaic.version = 14 : i64} {
  func.func @_body(%arg0: i32, %arg1: i32, %arg2: memref<8192x100xi32, #tpu.memory_space<hbm>>, %arg3: memref<100000x128xf32, #tpu.memory_space<hbm>>, %arg4: memref<200x128xf32, #tpu.memory_space<hbm>>, %arg5: memref<819200x128xf32, #tpu.memory_space<hbm>>, %arg6: memref<4x2x100xi32, #tpu.memory_space<vmem>>, %arg7: memref<600x128xf32, #tpu.memory_space<vmem>>, %arg8: memref<200x128xf32, #tpu.memory_space<vmem>>, %arg9: memref<!tpu.dma_semaphore, #tpu.memory_space<semaphore_mem>>, %arg10: memref<!tpu.dma_semaphore, #tpu.memory_space<semaphore_mem>>, %arg11: memref<!tpu.dma_semaphore, #tpu.memory_space<semaphore_mem>>) attributes {dimension_semantics = [#tpu.dimension_semantics<core_parallel>, #tpu.dimension_semantics<subcore_parallel>], iteration_bounds = array<i64: 2, 16>, scalar_prefetch = 0 : i64, scratch_operands = 6 : i64, tpu.core_type = #tpu.core_type<sc_vector_subcore>, window_params = [{transform_indices = #map}, {transform_indices = #map}, {transform_indices = #map}, {transform_indices = #map}]} {
    %mul3A = arith.constant 2 : i32
    %mul3A_0 = arith.muli %arg1, %mul3A : i32
    %add3A = arith.addi %mul3A_0, %arg0 : i32
    %mul3A_1 = arith.constant 128 : i32
    %mul3A_2 = arith.muli %add3A, %mul3A_1 : i32
    %mul3A_3 = arith.constant 200 : i32
    %mul3A_4 = arith.muli %mul3A_2, %mul3A_3 : i32
    %mul3A_5 = arith.constant 2 : i32
    %mul3A_6 = arith.muli %add3A, %mul3A_5 : i32
    %mul3A_7 = arith.constant 128 : i32
    %mul3A_8 = arith.muli %mul3A_6, %mul3A_7 : i32
    "tpu.region"() ({
      %run_scoped3A = tpu.sem_alloc : memref<!tpu.dma_semaphore, #tpu.memory_space<semaphore_mem>>
      tpu.enqueue_dma source(%arg4 : memref<200x128xf32, #tpu.memory_space<hbm>>) target(%arg8 : memref<200x128xf32, #tpu.memory_space<vmem>>) target_semaphore(%run_scoped3A : memref<!tpu.dma_semaphore, #tpu.memory_space<semaphore_mem>>)
      tpu.wait_dma2 semaphore(%run_scoped3A : memref<!tpu.dma_semaphore, #tpu.memory_space<semaphore_mem>>) src(%arg4 : memref<200x128xf32, #tpu.memory_space<hbm>>) dst(%arg8 : memref<200x128xf32, #tpu.memory_space<vmem>>)
      tpu.yield
    }) : () -> ()
    %add3A_9 = arith.constant 0 : i32
    %add3A_10 = arith.addi %mul3A_8, %add3A_9 : i32
    %rem3A = arith.constant 0 : i32
    %rem3A_11 = arith.constant 4 : i32
    %rem3A_12 = arith.remsi %rem3A, %rem3A_11 : i32
    %dma_start3A = arith.constant 0 : i32
    %dma_start3A_13 = arith.constant 0 : i32
    %dma_start3A_14 = tpu.memref_slice %arg6[%rem3A_12, %dma_start3A, %dma_start3A_13] : memref<4x2x100xi32, #tpu.memory_space<vmem>> -> memref<1x2x100xi32, #tpu.memory_space<vmem>>
    %dma_start3A_15 = tpu.memref_squeeze %dma_start3A_14 : memref<1x2x100xi32, #tpu.memory_space<vmem>> -> memref<2x100xi32, #tpu.memory_space<vmem>>
    %dma_start3A_16 = arith.constant 0 : i32
    %dma_start3A_17 = tpu.memref_slice %arg2[%add3A_10, %dma_start3A_16] : memref<8192x100xi32, #tpu.memory_space<hbm>> -> memref<2x100xi32, #tpu.memory_space<hbm>>
    %dma_start3A_18 = arith.constant 0 : i32
    %dma_start3A_19 = arith.constant 0 : i32
    %dma_start3A_20 = tpu.memref_slice %arg6[%rem3A_12, %dma_start3A_18, %dma_start3A_19] : memref<4x2x100xi32, #tpu.memory_space<vmem>> -> memref<1x2x100xi32, #tpu.memory_space<vmem>>
    %dma_start3A_21 = tpu.memref_squeeze %dma_start3A_20 : memref<1x2x100xi32, #tpu.memory_space<vmem>> -> memref<2x100xi32, #tpu.memory_space<vmem>>
    %dma_start3A_22 = arith.constant 0 : i32
    %dma_start3A_23 = tpu.memref_slice %arg2[%add3A_10, %dma_start3A_22] : memref<8192x100xi32, #tpu.memory_space<hbm>> -> memref<2x100xi32, #tpu.memory_space<hbm>>
    tpu.enqueue_dma source(%dma_start3A_23 : memref<2x100xi32, #tpu.memory_space<hbm>>) target(%dma_start3A_21 : memref<2x100xi32, #tpu.memory_space<vmem>>) target_semaphore(%arg9 : memref<!tpu.dma_semaphore, #tpu.memory_space<semaphore_mem>>)
    %add3A_24 = arith.constant 2 : i32
    %add3A_25 = arith.addi %mul3A_8, %add3A_24 : i32
    %rem3A_26 = arith.constant 1 : i32
    %rem3A_27 = arith.constant 4 : i32
    %rem3A_28 = arith.remsi %rem3A_26, %rem3A_27 : i32
    %dma_start3A_29 = arith.constant 0 : i32
    %dma_start3A_30 = arith.constant 0 : i32
    %dma_start3A_31 = tpu.memref_slice %arg6[%rem3A_28, %dma_start3A_29, %dma_start3A_30] : memref<4x2x100xi32, #tpu.memory_space<vmem>> -> memref<1x2x100xi32, #tpu.memory_space<vmem>>
    %dma_start3A_32 = tpu.memref_squeeze %dma_start3A_31 : memref<1x2x100xi32, #tpu.memory_space<vmem>> -> memref<2x100xi32, #tpu.memory_space<vmem>>
    %dma_start3A_33 = arith.constant 0 : i32
    %dma_start3A_34 = tpu.memref_slice %arg2[%add3A_25, %dma_start3A_33] : memref<8192x100xi32, #tpu.memory_space<hbm>> -> memref<2x100xi32, #tpu.memory_space<hbm>>
    %dma_start3A_35 = arith.constant 0 : i32
    %dma_start3A_36 = arith.constant 0 : i32
    %dma_start3A_37 = tpu.memref_slice %arg6[%rem3A_28, %dma_start3A_35, %dma_start3A_36] : memref<4x2x100xi32, #tpu.memory_space<vmem>> -> memref<1x2x100xi32, #tpu.memory_space<vmem>>
    %dma_start3A_38 = tpu.memref_squeeze %dma_start3A_37 : memref<1x2x100xi32, #tpu.memory_space<vmem>> -> memref<2x100xi32, #tpu.memory_space<vmem>>
    %dma_start3A_39 = arith.constant 0 : i32
    %dma_start3A_40 = tpu.memref_slice %arg2[%add3A_25, %dma_start3A_39] : memref<8192x100xi32, #tpu.memory_space<hbm>> -> memref<2x100xi32, #tpu.memory_space<hbm>>
    tpu.enqueue_dma source(%dma_start3A_40 : memref<2x100xi32, #tpu.memory_space<hbm>>) target(%dma_start3A_38 : memref<2x100xi32, #tpu.memory_space<vmem>>) target_semaphore(%arg9 : memref<!tpu.dma_semaphore, #tpu.memory_space<semaphore_mem>>)
    %add3A_41 = arith.constant 4 : i32
    %add3A_42 = arith.addi %mul3A_8, %add3A_41 : i32
    %rem3A_43 = arith.constant 2 : i32
    %rem3A_44 = arith.constant 4 : i32
    %rem3A_45 = arith.remsi %rem3A_43, %rem3A_44 : i32
    %dma_start3A_46 = arith.constant 0 : i32
    %dma_start3A_47 = arith.constant 0 : i32
    %dma_start3A_48 = tpu.memref_slice %arg6[%rem3A_45, %dma_start3A_46, %dma_start3A_47] : memref<4x2x100xi32, #tpu.memory_space<vmem>> -> memref<1x2x100xi32, #tpu.memory_space<vmem>>
    %dma_start3A_49 = tpu.memref_squeeze %dma_start3A_48 : memref<1x2x100xi32, #tpu.memory_space<vmem>> -> memref<2x100xi32, #tpu.memory_space<vmem>>
    %dma_start3A_50 = arith.constant 0 : i32
    %dma_start3A_51 = tpu.memref_slice %arg2[%add3A_42, %dma_start3A_50] : memref<8192x100xi32, #tpu.memory_space<hbm>> -> memref<2x100xi32, #tpu.memory_space<hbm>>
    %dma_start3A_52 = arith.constant 0 : i32
    %dma_start3A_53 = arith.constant 0 : i32
    %dma_start3A_54 = tpu.memref_slice %arg6[%rem3A_45, %dma_start3A_52, %dma_start3A_53] : memref<4x2x100xi32, #tpu.memory_space<vmem>> -> memref<1x2x100xi32, #tpu.memory_space<vmem>>
    %dma_start3A_55 = tpu.memref_squeeze %dma_start3A_54 : memref<1x2x100xi32, #tpu.memory_space<vmem>> -> memref<2x100xi32, #tpu.memory_space<vmem>>
    %dma_start3A_56 = arith.constant 0 : i32
    %dma_start3A_57 = tpu.memref_slice %arg2[%add3A_42, %dma_start3A_56] : memref<8192x100xi32, #tpu.memory_space<hbm>> -> memref<2x100xi32, #tpu.memory_space<hbm>>
    tpu.enqueue_dma source(%dma_start3A_57 : memref<2x100xi32, #tpu.memory_space<hbm>>) target(%dma_start3A_55 : memref<2x100xi32, #tpu.memory_space<vmem>>) target_semaphore(%arg9 : memref<!tpu.dma_semaphore, #tpu.memory_space<semaphore_mem>>)
    %rem3A_58 = arith.constant 0 : i32
    %rem3A_59 = arith.constant 4 : i32
    %rem3A_60 = arith.remsi %rem3A_58, %rem3A_59 : i32
    %dma_wait3A = arith.constant 0 : i32
    %dma_wait3A_61 = arith.constant 0 : i32
    %dma_wait3A_62 = tpu.memref_slice %arg6[%rem3A_60, %dma_wait3A, %dma_wait3A_61] : memref<4x2x100xi32, #tpu.memory_space<vmem>> -> memref<1x2x100xi32, #tpu.memory_space<vmem>>
    %dma_wait3A_63 = tpu.memref_squeeze %dma_wait3A_62 : memref<1x2x100xi32, #tpu.memory_space<vmem>> -> memref<2x100xi32, #tpu.memory_space<vmem>>
    %dma_wait3A_64 = arith.constant 0 : i32
    %dma_wait3A_65 = arith.constant 0 : i32
    %dma_wait3A_66 = tpu.memref_slice %arg2[%dma_wait3A_64, %dma_wait3A_65] : memref<8192x100xi32, #tpu.memory_space<hbm>> -> memref<2x100xi32, #tpu.memory_space<hbm>>
    %dma_wait3A_67 = arith.constant 0 : i32
    %dma_wait3A_68 = arith.constant 0 : i32
    %dma_wait3A_69 = tpu.memref_slice %arg6[%rem3A_60, %dma_wait3A_67, %dma_wait3A_68] : memref<4x2x100xi32, #tpu.memory_space<vmem>> -> memref<1x2x100xi32, #tpu.memory_space<vmem>>
    %dma_wait3A_70 = tpu.memref_squeeze %dma_wait3A_69 : memref<1x2x100xi32, #tpu.memory_space<vmem>> -> memref<2x100xi32, #tpu.memory_space<vmem>>
    %dma_wait3A_71 = arith.constant 0 : i32
    %dma_wait3A_72 = arith.constant 0 : i32
    %dma_wait3A_73 = tpu.memref_slice %arg2[%dma_wait3A_71, %dma_wait3A_72] : memref<8192x100xi32, #tpu.memory_space<hbm>> -> memref<2x100xi32, #tpu.memory_space<hbm>>
    tpu.wait_dma2 semaphore(%arg9 : memref<!tpu.dma_semaphore, #tpu.memory_space<semaphore_mem>>) src(%dma_wait3A_73 : memref<2x100xi32, #tpu.memory_space<hbm>>) dst(%dma_wait3A_70 : memref<2x100xi32, #tpu.memory_space<vmem>>)
    %rem3A_74 = arith.constant 0 : i32
    %rem3A_75 = arith.constant 3 : i32
    %rem3A_76 = arith.remsi %rem3A_74, %rem3A_75 : i32
    %rem3A_77 = arith.constant 0 : i32
    %rem3A_78 = arith.constant 4 : i32
    %rem3A_79 = arith.remsi %rem3A_77, %rem3A_78 : i32
    %mul3A_80 = arith.constant 200 : i32
    %mul3A_81 = arith.muli %rem3A_76, %mul3A_80 : i32
    %dma_start3A_82 = arith.constant 0 : i32
    %dma_start3A_83 = arith.constant 0 : i32
    %dma_start3A_84 = tpu.memref_slice %arg7[%mul3A_81, %dma_start3A_83] : memref<600x128xf32, #tpu.memory_space<vmem>> -> memref<100x128xf32, #tpu.memory_space<vmem>>
    %dma_start3A_85 = arith.constant 0 : i32
    %dma_start3A_86 = tpu.memref_slice %arg6[%rem3A_79, %dma_start3A_82, %dma_start3A_85] : memref<4x2x100xi32, #tpu.memory_space<vmem>> -> memref<1x1x100xi32, #tpu.memory_space<vmem>>
    %dma_start3A_87 = tpu.memref_squeeze %dma_start3A_86 : memref<1x1x100xi32, #tpu.memory_space<vmem>> -> memref<100xi32, #tpu.memory_space<vmem>>
    %dma_start3A_88 = arith.constant 0 : i32
    %dma_start3A_89 = arith.constant 0 : i32
    %dma_start3A_90 = tpu.memref_slice %arg3[%dma_start3A_88, %dma_start3A_89] : memref<100000x128xf32, #tpu.memory_space<hbm>> -> memref<100000x128xf32, #tpu.memory_space<hbm>>
    tpu.enqueue_indirect_dma source(%dma_start3A_90 : memref<100000x128xf32, #tpu.memory_space<hbm>>) target(%dma_start3A_84 : memref<100x128xf32, #tpu.memory_space<vmem>>) offsets(%dma_start3A_87 : memref<100xi32, #tpu.memory_space<vmem>>) semaphore(%arg10 : memref<!tpu.dma_semaphore, #tpu.memory_space<semaphore_mem>>)
    %mul3A_91 = arith.constant 200 : i32
    %mul3A_92 = arith.muli %rem3A_76, %mul3A_91 : i32
    %add3A_93 = arith.constant 100 : i32
    %add3A_94 = arith.addi %mul3A_92, %add3A_93 : i32
    %dma_start3A_95 = arith.constant 1 : i32
    %dma_start3A_96 = arith.constant 0 : i32
    %dma_start3A_97 = tpu.memref_slice %arg7[%add3A_94, %dma_start3A_96] : memref<600x128xf32, #tpu.memory_space<vmem>> -> memref<100x128xf32, #tpu.memory_space<vmem>>
    %dma_start3A_98 = arith.constant 0 : i32
    %dma_start3A_99 = tpu.memref_slice %arg6[%rem3A_79, %dma_start3A_95, %dma_start3A_98] : memref<4x2x100xi32, #tpu.memory_space<vmem>> -> memref<1x1x100xi32, #tpu.memory_space<vmem>>
    %dma_start3A_100 = tpu.memref_squeeze %dma_start3A_99 : memref<1x1x100xi32, #tpu.memory_space<vmem>> -> memref<100xi32, #tpu.memory_space<vmem>>
    %dma_start3A_101 = arith.constant 0 : i32
    %dma_start3A_102 = arith.constant 0 : i32
    %dma_start3A_103 = tpu.memref_slice %arg3[%dma_start3A_101, %dma_start3A_102] : memref<100000x128xf32, #tpu.memory_space<hbm>> -> memref<100000x128xf32, #tpu.memory_space<hbm>>
    tpu.enqueue_indirect_dma source(%dma_start3A_103 : memref<100000x128xf32, #tpu.memory_space<hbm>>) target(%dma_start3A_97 : memref<100x128xf32, #tpu.memory_space<vmem>>) offsets(%dma_start3A_100 : memref<100xi32, #tpu.memory_space<vmem>>) semaphore(%arg10 : memref<!tpu.dma_semaphore, #tpu.memory_space<semaphore_mem>>)
    %rem3A_104 = arith.constant 1 : i32
    %rem3A_105 = arith.constant 4 : i32
    %rem3A_106 = arith.remsi %rem3A_104, %rem3A_105 : i32
    %dma_wait3A_107 = arith.constant 0 : i32
    %dma_wait3A_108 = arith.constant 0 : i32
    %dma_wait3A_109 = tpu.memref_slice %arg6[%rem3A_106, %dma_wait3A_107, %dma_wait3A_108] : memref<4x2x100xi32, #tpu.memory_space<vmem>> -> memref<1x2x100xi32, #tpu.memory_space<vmem>>
    %dma_wait3A_110 = tpu.memref_squeeze %dma_wait3A_109 : memref<1x2x100xi32, #tpu.memory_space<vmem>> -> memref<2x100xi32, #tpu.memory_space<vmem>>
    %dma_wait3A_111 = arith.constant 0 : i32
    %dma_wait3A_112 = arith.constant 0 : i32
    %dma_wait3A_113 = tpu.memref_slice %arg2[%dma_wait3A_111, %dma_wait3A_112] : memref<8192x100xi32, #tpu.memory_space<hbm>> -> memref<2x100xi32, #tpu.memory_space<hbm>>
    %dma_wait3A_114 = arith.constant 0 : i32
    %dma_wait3A_115 = arith.constant 0 : i32
    %dma_wait3A_116 = tpu.memref_slice %arg6[%rem3A_106, %dma_wait3A_114, %dma_wait3A_115] : memref<4x2x100xi32, #tpu.memory_space<vmem>> -> memref<1x2x100xi32, #tpu.memory_space<vmem>>
    %dma_wait3A_117 = tpu.memref_squeeze %dma_wait3A_116 : memref<1x2x100xi32, #tpu.memory_space<vmem>> -> memref<2x100xi32, #tpu.memory_space<vmem>>
    %dma_wait3A_118 = arith.constant 0 : i32
    %dma_wait3A_119 = arith.constant 0 : i32
    %dma_wait3A_120 = tpu.memref_slice %arg2[%dma_wait3A_118, %dma_wait3A_119] : memref<8192x100xi32, #tpu.memory_space<hbm>> -> memref<2x100xi32, #tpu.memory_space<hbm>>
    tpu.wait_dma2 semaphore(%arg9 : memref<!tpu.dma_semaphore, #tpu.memory_space<semaphore_mem>>) src(%dma_wait3A_120 : memref<2x100xi32, #tpu.memory_space<hbm>>) dst(%dma_wait3A_117 : memref<2x100xi32, #tpu.memory_space<vmem>>)
    %rem3A_121 = arith.constant 1 : i32
    %rem3A_122 = arith.constant 3 : i32
    %rem3A_123 = arith.remsi %rem3A_121, %rem3A_122 : i32
    %rem3A_124 = arith.constant 1 : i32
    %rem3A_125 = arith.constant 4 : i32
    %rem3A_126 = arith.remsi %rem3A_124, %rem3A_125 : i32
    %mul3A_127 = arith.constant 200 : i32
    %mul3A_128 = arith.muli %rem3A_123, %mul3A_127 : i32
    %dma_start3A_129 = arith.constant 0 : i32
    %dma_start3A_130 = arith.constant 0 : i32
    %dma_start3A_131 = tpu.memref_slice %arg7[%mul3A_128, %dma_start3A_130] : memref<600x128xf32, #tpu.memory_space<vmem>> -> memref<100x128xf32, #tpu.memory_space<vmem>>
    %dma_start3A_132 = arith.constant 0 : i32
    %dma_start3A_133 = tpu.memref_slice %arg6[%rem3A_126, %dma_start3A_129, %dma_start3A_132] : memref<4x2x100xi32, #tpu.memory_space<vmem>> -> memref<1x1x100xi32, #tpu.memory_space<vmem>>
    %dma_start3A_134 = tpu.memref_squeeze %dma_start3A_133 : memref<1x1x100xi32, #tpu.memory_space<vmem>> -> memref<100xi32, #tpu.memory_space<vmem>>
    %dma_start3A_135 = arith.constant 0 : i32
    %dma_start3A_136 = arith.constant 0 : i32
    %dma_start3A_137 = tpu.memref_slice %arg3[%dma_start3A_135, %dma_start3A_136] : memref<100000x128xf32, #tpu.memory_space<hbm>> -> memref<100000x128xf32, #tpu.memory_space<hbm>>
    tpu.enqueue_indirect_dma source(%dma_start3A_137 : memref<100000x128xf32, #tpu.memory_space<hbm>>) target(%dma_start3A_131 : memref<100x128xf32, #tpu.memory_space<vmem>>) offsets(%dma_start3A_134 : memref<100xi32, #tpu.memory_space<vmem>>) semaphore(%arg10 : memref<!tpu.dma_semaphore, #tpu.memory_space<semaphore_mem>>)
    %mul3A_138 = arith.constant 200 : i32
    %mul3A_139 = arith.muli %rem3A_123, %mul3A_138 : i32
    %add3A_140 = arith.constant 100 : i32
    %add3A_141 = arith.addi %mul3A_139, %add3A_140 : i32
    %dma_start3A_142 = arith.constant 1 : i32
    %dma_start3A_143 = arith.constant 0 : i32
    %dma_start3A_144 = tpu.memref_slice %arg7[%add3A_141, %dma_start3A_143] : memref<600x128xf32, #tpu.memory_space<vmem>> -> memref<100x128xf32, #tpu.memory_space<vmem>>
    %dma_start3A_145 = arith.constant 0 : i32
    %dma_start3A_146 = tpu.memref_slice %arg6[%rem3A_126, %dma_start3A_142, %dma_start3A_145] : memref<4x2x100xi32, #tpu.memory_space<vmem>> -> memref<1x1x100xi32, #tpu.memory_space<vmem>>
    %dma_start3A_147 = tpu.memref_squeeze %dma_start3A_146 : memref<1x1x100xi32, #tpu.memory_space<vmem>> -> memref<100xi32, #tpu.memory_space<vmem>>
    %dma_start3A_148 = arith.constant 0 : i32
    %dma_start3A_149 = arith.constant 0 : i32
    %dma_start3A_150 = tpu.memref_slice %arg3[%dma_start3A_148, %dma_start3A_149] : memref<100000x128xf32, #tpu.memory_space<hbm>> -> memref<100000x128xf32, #tpu.memory_space<hbm>>
    tpu.enqueue_indirect_dma source(%dma_start3A_150 : memref<100000x128xf32, #tpu.memory_space<hbm>>) target(%dma_start3A_144 : memref<100x128xf32, #tpu.memory_space<vmem>>) offsets(%dma_start3A_147 : memref<100xi32, #tpu.memory_space<vmem>>) semaphore(%arg10 : memref<!tpu.dma_semaphore, #tpu.memory_space<semaphore_mem>>)
    %scan3A = arith.constant 0 : i32
    %scan3A_151 = arith.constant 0 : i32
    %scan3A_152 = arith.constant 128 : i32
    %scan3A_153 = arith.addi %scan3A_151, %scan3A_152 : i32
    %scan3A_154 = arith.constant 1 : i32
    %scan3A_155 = scf.for %scan3A_172 = %scan3A_151 to %scan3A_153 step %scan3A_154 iter_args(%scan3A_173 = %scan3A) -> (i32)  : i32 {
      %rem3A_174 = arith.constant 3 : i32
      %rem3A_175 = arith.remsi %scan3A_172, %rem3A_174 : i32
      %mul3A_176 = arith.constant 200 : i32
      %mul3A_177 = arith.muli %rem3A_175, %mul3A_176 : i32
      %mul3A_178 = arith.constant 200 : i32
      %mul3A_179 = arith.muli %scan3A_172, %mul3A_178 : i32
      %add3A_180 = arith.addi %mul3A_4, %mul3A_179 : i32
      %add3A_181 = arith.constant 3 : i32
      %add3A_182 = arith.addi %scan3A_172, %add3A_181 : i32
      %lt3A = arith.constant 128 : i32
      %lt3A_183 = arith.cmpi slt, %add3A_182, %lt3A : i32
      %convert_element_type3A = arith.extui %lt3A_183 : i1 to i32
      %cond3A = arith.constant 0 : i32
      %cond3A_184 = arith.cmpi ne, %convert_element_type3A, %cond3A : i32
      scf.if %cond3A_184 {
        %add3A_217 = arith.constant 3 : i32
        %add3A_218 = arith.addi %scan3A_172, %add3A_217 : i32
        %mul3A_219 = arith.constant 2 : i32
        %mul3A_220 = arith.muli %mul3A_219, %add3A_218 : i32
        %add3A_221 = arith.addi %mul3A_8, %mul3A_220 : i32
        %rem3A_222 = arith.constant 4 : i32
        %rem3A_223 = arith.remsi %add3A_218, %rem3A_222 : i32
        %dma_start3A_224 = arith.constant 0 : i32
        %dma_start3A_225 = arith.constant 0 : i32
        %dma_start3A_226 = tpu.memref_slice %arg6[%rem3A_223, %dma_start3A_224, %dma_start3A_225] : memref<4x2x100xi32, #tpu.memory_space<vmem>> -> memref<1x2x100xi32, #tpu.memory_space<vmem>>
        %dma_start3A_227 = tpu.memref_squeeze %dma_start3A_226 : memref<1x2x100xi32, #tpu.memory_space<vmem>> -> memref<2x100xi32, #tpu.memory_space<vmem>>
        %dma_start3A_228 = arith.constant 0 : i32
        %dma_start3A_229 = tpu.memref_slice %arg2[%add3A_221, %dma_start3A_228] : memref<8192x100xi32, #tpu.memory_space<hbm>> -> memref<2x100xi32, #tpu.memory_space<hbm>>
        %dma_start3A_230 = arith.constant 0 : i32
        %dma_start3A_231 = arith.constant 0 : i32
        %dma_start3A_232 = tpu.memref_slice %arg6[%rem3A_223, %dma_start3A_230, %dma_start3A_231] : memref<4x2x100xi32, #tpu.memory_space<vmem>> -> memref<1x2x100xi32, #tpu.memory_space<vmem>>
        %dma_start3A_233 = tpu.memref_squeeze %dma_start3A_232 : memref<1x2x100xi32, #tpu.memory_space<vmem>> -> memref<2x100xi32, #tpu.memory_space<vmem>>
        %dma_start3A_234 = arith.constant 0 : i32
        %dma_start3A_235 = tpu.memref_slice %arg2[%add3A_221, %dma_start3A_234] : memref<8192x100xi32, #tpu.memory_space<hbm>> -> memref<2x100xi32, #tpu.memory_space<hbm>>
        tpu.enqueue_dma source(%dma_start3A_235 : memref<2x100xi32, #tpu.memory_space<hbm>>) target(%dma_start3A_233 : memref<2x100xi32, #tpu.memory_space<vmem>>) target_semaphore(%arg9 : memref<!tpu.dma_semaphore, #tpu.memory_space<semaphore_mem>>)
      } else {
      }
      %dma_wait3A_185 = arith.constant 0 : i32
      %dma_wait3A_186 = tpu.memref_slice %arg7[%mul3A_177, %dma_wait3A_185] : memref<600x128xf32, #tpu.memory_space<vmem>> -> memref<200x128xf32, #tpu.memory_space<vmem>>
      %dma_wait3A_187 = arith.constant 0 : i32
      %dma_wait3A_188 = arith.constant 0 : i32
      %dma_wait3A_189 = tpu.memref_slice %arg3[%dma_wait3A_187, %dma_wait3A_188] : memref<100000x128xf32, #tpu.memory_space<hbm>> -> memref<200x128xf32, #tpu.memory_space<hbm>>
      %dma_wait3A_190 = arith.constant 0 : i32
      %dma_wait3A_191 = tpu.memref_slice %arg7[%mul3A_177, %dma_wait3A_190] : memref<600x128xf32, #tpu.memory_space<vmem>> -> memref<200x128xf32, #tpu.memory_space<vmem>>
      %dma_wait3A_192 = arith.constant 0 : i32
      %dma_wait3A_193 = arith.constant 0 : i32
      %dma_wait3A_194 = tpu.memref_slice %arg3[%dma_wait3A_192, %dma_wait3A_193] : memref<100000x128xf32, #tpu.memory_space<hbm>> -> memref<200x128xf32, #tpu.memory_space<hbm>>
      tpu.wait_dma2 semaphore(%arg10 : memref<!tpu.dma_semaphore, #tpu.memory_space<semaphore_mem>>) src(%dma_wait3A_194 : memref<200x128xf32, #tpu.memory_space<hbm>>) dst(%dma_wait3A_191 : memref<200x128xf32, #tpu.memory_space<vmem>>)
      %parallel_loop3A = arith.constant 0 : i32
      %parallel_loop3A_195 = arith.constant 200 : i32
      %parallel_loop3A_196 = arith.constant 1 : i32
      scf.for %parallel_loop3A_217 = %parallel_loop3A to %parallel_loop3A_195 step %parallel_loop3A_196  : i32 {
        %parallel_loop3A_218 = arith.addi %mul3A_177, %parallel_loop3A_217 : i32
        %parallel_loop3A_219 = arith.index_cast %parallel_loop3A_217 : i32 to index
        %parallel_loop3A_220 = arith.constant 0 : index
        %parallel_loop3A_221 = tpu.vector_load %arg8[%parallel_loop3A_219, %parallel_loop3A_220] {strides = array<i32>} : memref<200x128xf32, #tpu.memory_space<vmem>>, vector<1x16xf32>,
        %parallel_loop3A_222 = vector.shape_cast %parallel_loop3A_221 : vector<1x16xf32> to vector<16xf32>
        %parallel_loop3A_223 = arith.index_cast %parallel_loop3A_218 : i32 to index
        %parallel_loop3A_224 = arith.constant 0 : index
        %parallel_loop3A_225 = tpu.vector_load %arg7[%parallel_loop3A_223, %parallel_loop3A_224] {strides = array<i32>} : memref<600x128xf32, #tpu.memory_space<vmem>>, vector<1x16xf32>,
        %parallel_loop3A_226 = vector.shape_cast %parallel_loop3A_225 : vector<1x16xf32> to vector<16xf32>
        %parallel_loop3A_227 = vector.shape_cast %parallel_loop3A_222 : vector<16xf32> to vector<1x16xf32>
        tpu.vector_store %arg7[%parallel_loop3A_223, %parallel_loop3A_224], %parallel_loop3A_227 {add = true, strides = array<i32>} : memref<600x128xf32, #tpu.memory_space<vmem>>, vector<1x16xf32>,
        %parallel_loop3A_228 = arith.addi %mul3A_177, %parallel_loop3A_217 : i32
        %parallel_loop3A_229 = arith.index_cast %parallel_loop3A_217 : i32 to index
        %parallel_loop3A_230 = arith.constant 16 : index
        %parallel_loop3A_231 = tpu.vector_load %arg8[%parallel_loop3A_229, %parallel_loop3A_230] {strides = array<i32>} : memref<200x128xf32, #tpu.memory_space<vmem>>, vector<1x16xf32>,
        %parallel_loop3A_232 = vector.shape_cast %parallel_loop3A_231 : vector<1x16xf32> to vector<16xf32>
        %parallel_loop3A_233 = arith.index_cast %parallel_loop3A_228 : i32 to index
        %parallel_loop3A_234 = arith.constant 16 : index
        %parallel_loop3A_235 = tpu.vector_load %arg7[%parallel_loop3A_233, %parallel_loop3A_234] {strides = array<i32>} : memref<600x128xf32, #tpu.memory_space<vmem>>, vector<1x16xf32>,
        %parallel_loop3A_236 = vector.shape_cast %parallel_loop3A_235 : vector<1x16xf32> to vector<16xf32>
        %parallel_loop3A_237 = vector.shape_cast %parallel_loop3A_232 : vector<16xf32> to vector<1x16xf32>
        tpu.vector_store %arg7[%parallel_loop3A_233, %parallel_loop3A_234], %parallel_loop3A_237 {add = true, strides = array<i32>} : memref<600x128xf32, #tpu.memory_space<vmem>>, vector<1x16xf32>,
        %parallel_loop3A_238 = arith.addi %mul3A_177, %parallel_loop3A_217 : i32
        %parallel_loop3A_239 = arith.index_cast %parallel_loop3A_217 : i32 to index
        %parallel_loop3A_240 = arith.constant 32 : index
        %parallel_loop3A_241 = tpu.vector_load %arg8[%parallel_loop3A_239, %parallel_loop3A_240] {strides = array<i32>} : memref<200x128xf32, #tpu.memory_space<vmem>>, vector<1x16xf32>,
        %parallel_loop3A_242 = vector.shape_cast %parallel_loop3A_241 : vector<1x16xf32> to vector<16xf32>
        %parallel_loop3A_243 = arith.index_cast %parallel_loop3A_238 : i32 to index
        %parallel_loop3A_244 = arith.constant 32 : index
        %parallel_loop3A_245 = tpu.vector_load %arg7[%parallel_loop3A_243, %parallel_loop3A_244] {strides = array<i32>} : memref<600x128xf32, #tpu.memory_space<vmem>>, vector<1x16xf32>,
        %parallel_loop3A_246 = vector.shape_cast %parallel_loop3A_245 : vector<1x16xf32> to vector<16xf32>
        %parallel_loop3A_247 = vector.shape_cast %parallel_loop3A_242 : vector<16xf32> to vector<1x16xf32>
        tpu.vector_store %arg7[%parallel_loop3A_243, %parallel_loop3A_244], %parallel_loop3A_247 {add = true, strides = array<i32>} : memref<600x128xf32, #tpu.memory_space<vmem>>, vector<1x16xf32>,
        %parallel_loop3A_248 = arith.addi %mul3A_177, %parallel_loop3A_217 : i32
        %parallel_loop3A_249 = arith.index_cast %parallel_loop3A_217 : i32 to index
        %parallel_loop3A_250 = arith.constant 48 : index
        %parallel_loop3A_251 = tpu.vector_load %arg8[%parallel_loop3A_249, %parallel_loop3A_250] {strides = array<i32>} : memref<200x128xf32, #tpu.memory_space<vmem>>, vector<1x16xf32>,
        %parallel_loop3A_252 = vector.shape_cast %parallel_loop3A_251 : vector<1x16xf32> to vector<16xf32>
        %parallel_loop3A_253 = arith.index_cast %parallel_loop3A_248 : i32 to index
        %parallel_loop3A_254 = arith.constant 48 : index
        %parallel_loop3A_255 = tpu.vector_load %arg7[%parallel_loop3A_253, %parallel_loop3A_254] {strides = array<i32>} : memref<600x128xf32, #tpu.memory_space<vmem>>, vector<1x16xf32>,
        %parallel_loop3A_256 = vector.shape_cast %parallel_loop3A_255 : vector<1x16xf32> to vector<16xf32>
        %parallel_loop3A_257 = vector.shape_cast %parallel_loop3A_252 : vector<16xf32> to vector<1x16xf32>
        tpu.vector_store %arg7[%parallel_loop3A_253, %parallel_loop3A_254], %parallel_loop3A_257 {add = true, strides = array<i32>} : memref<600x128xf32, #tpu.memory_space<vmem>>, vector<1x16xf32>,
        %parallel_loop3A_258 = arith.addi %mul3A_177, %parallel_loop3A_217 : i32
        %parallel_loop3A_259 = arith.index_cast %parallel_loop3A_217 : i32 to index
        %parallel_loop3A_260 = arith.constant 64 : index
        %parallel_loop3A_261 = tpu.vector_load %arg8[%parallel_loop3A_259, %parallel_loop3A_260] {strides = array<i32>} : memref<200x128xf32, #tpu.memory_space<vmem>>, vector<1x16xf32>,
        %parallel_loop3A_262 = vector.shape_cast %parallel_loop3A_261 : vector<1x16xf32> to vector<16xf32>
        %parallel_loop3A_263 = arith.index_cast %parallel_loop3A_258 : i32 to index
        %parallel_loop3A_264 = arith.constant 64 : index
        %parallel_loop3A_265 = tpu.vector_load %arg7[%parallel_loop3A_263, %parallel_loop3A_264] {strides = array<i32>} : memref<600x128xf32, #tpu.memory_space<vmem>>, vector<1x16xf32>,
        %parallel_loop3A_266 = vector.shape_cast %parallel_loop3A_265 : vector<1x16xf32> to vector<16xf32>
        %parallel_loop3A_267 = vector.shape_cast %parallel_loop3A_262 : vector<16xf32> to vector<1x16xf32>
        tpu.vector_store %arg7[%parallel_loop3A_263, %parallel_loop3A_264], %parallel_loop3A_267 {add = true, strides = array<i32>} : memref<600x128xf32, #tpu.memory_space<vmem>>, vector<1x16xf32>,
        %parallel_loop3A_268 = arith.addi %mul3A_177, %parallel_loop3A_217 : i32
        %parallel_loop3A_269 = arith.index_cast %parallel_loop3A_217 : i32 to index
        %parallel_loop3A_270 = arith.constant 80 : index
        %parallel_loop3A_271 = tpu.vector_load %arg8[%parallel_loop3A_269, %parallel_loop3A_270] {strides = array<i32>} : memref<200x128xf32, #tpu.memory_space<vmem>>, vector<1x16xf32>,
        %parallel_loop3A_272 = vector.shape_cast %parallel_loop3A_271 : vector<1x16xf32> to vector<16xf32>
        %parallel_loop3A_273 = arith.index_cast %parallel_loop3A_268 : i32 to index
        %parallel_loop3A_274 = arith.constant 80 : index
        %parallel_loop3A_275 = tpu.vector_load %arg7[%parallel_loop3A_273, %parallel_loop3A_274] {strides = array<i32>} : memref<600x128xf32, #tpu.memory_space<vmem>>, vector<1x16xf32>,
        %parallel_loop3A_276 = vector.shape_cast %parallel_loop3A_275 : vector<1x16xf32> to vector<16xf32>
        %parallel_loop3A_277 = vector.shape_cast %parallel_loop3A_272 : vector<16xf32> to vector<1x16xf32>
        tpu.vector_store %arg7[%parallel_loop3A_273, %parallel_loop3A_274], %parallel_loop3A_277 {add = true, strides = array<i32>} : memref<600x128xf32, #tpu.memory_space<vmem>>, vector<1x16xf32>,
        %parallel_loop3A_278 = arith.addi %mul3A_177, %parallel_loop3A_217 : i32
        %parallel_loop3A_279 = arith.index_cast %parallel_loop3A_217 : i32 to index
        %parallel_loop3A_280 = arith.constant 96 : index
        %parallel_loop3A_281 = tpu.vector_load %arg8[%parallel_loop3A_279, %parallel_loop3A_280] {strides = array<i32>} : memref<200x128xf32, #tpu.memory_space<vmem>>, vector<1x16xf32>,
        %parallel_loop3A_282 = vector.shape_cast %parallel_loop3A_281 : vector<1x16xf32> to vector<16xf32>
        %parallel_loop3A_283 = arith.index_cast %parallel_loop3A_278 : i32 to index
        %parallel_loop3A_284 = arith.constant 96 : index
        %parallel_loop3A_285 = tpu.vector_load %arg7[%parallel_loop3A_283, %parallel_loop3A_284] {strides = array<i32>} : memref<600x128xf32, #tpu.memory_space<vmem>>, vector<1x16xf32>,
        %parallel_loop3A_286 = vector.shape_cast %parallel_loop3A_285 : vector<1x16xf32> to vector<16xf32>
        %parallel_loop3A_287 = vector.shape_cast %parallel_loop3A_282 : vector<16xf32> to vector<1x16xf32>
        tpu.vector_store %arg7[%parallel_loop3A_283, %parallel_loop3A_284], %parallel_loop3A_287 {add = true, strides = array<i32>} : memref<600x128xf32, #tpu.memory_space<vmem>>, vector<1x16xf32>,
        %parallel_loop3A_288 = arith.addi %mul3A_177, %parallel_loop3A_217 : i32
        %parallel_loop3A_289 = arith.index_cast %parallel_loop3A_217 : i32 to index
        %parallel_loop3A_290 = arith.constant 112 : index
        %parallel_loop3A_291 = tpu.vector_load %arg8[%parallel_loop3A_289, %parallel_loop3A_290] {strides = array<i32>} : memref<200x128xf32, #tpu.memory_space<vmem>>, vector<1x16xf32>,
        %parallel_loop3A_292 = vector.shape_cast %parallel_loop3A_291 : vector<1x16xf32> to vector<16xf32>
        %parallel_loop3A_293 = arith.index_cast %parallel_loop3A_288 : i32 to index
        %parallel_loop3A_294 = arith.constant 112 : index
        %parallel_loop3A_295 = tpu.vector_load %arg7[%parallel_loop3A_293, %parallel_loop3A_294] {strides = array<i32>} : memref<600x128xf32, #tpu.memory_space<vmem>>, vector<1x16xf32>,
        %parallel_loop3A_296 = vector.shape_cast %parallel_loop3A_295 : vector<1x16xf32> to vector<16xf32>
        %parallel_loop3A_297 = vector.shape_cast %parallel_loop3A_292 : vector<16xf32> to vector<1x16xf32>
        tpu.vector_store %arg7[%parallel_loop3A_293, %parallel_loop3A_294], %parallel_loop3A_297 {add = true, strides = array<i32>} : memref<600x128xf32, #tpu.memory_space<vmem>>, vector<1x16xf32>,
      } {sc.loop_unroll_factor = 2 : i64, sc.parallel_access}
      %ge3A = arith.constant 1 : i32
      %ge3A_197 = arith.cmpi sge, %scan3A_172, %ge3A : i32
      %convert_element_type3A_198 = arith.extui %ge3A_197 : i1 to i32
      %cond3A_199 = arith.constant 0 : i32
      %cond3A_200 = arith.cmpi ne, %convert_element_type3A_198, %cond3A_199 : i32
      scf.if %cond3A_200 {
        %sub3A = arith.constant 1 : i32
        %sub3A_217 = arith.subi %scan3A_172, %sub3A : i32
        %rem3A_218 = arith.constant 3 : i32
        %rem3A_219 = arith.remsi %sub3A_217, %rem3A_218 : i32
        %mul3A_220 = arith.constant 200 : i32
        %mul3A_221 = arith.muli %rem3A_219, %mul3A_220 : i32
        %sub3A_222 = arith.constant 200 : i32
        %sub3A_223 = arith.subi %add3A_180, %sub3A_222 : i32
        %dma_wait3A_224 = arith.constant 0 : i32
        %dma_wait3A_225 = tpu.memref_slice %arg7[%mul3A_221, %dma_wait3A_224] : memref<600x128xf32, #tpu.memory_space<vmem>> -> memref<200x128xf32, #tpu.memory_space<vmem>>
        %dma_wait3A_226 = arith.constant 0 : i32
        %dma_wait3A_227 = tpu.memref_slice %arg5[%sub3A_223, %dma_wait3A_226] : memref<819200x128xf32, #tpu.memory_space<hbm>> -> memref<200x128xf32, #tpu.memory_space<hbm>>
        %dma_wait3A_228 = arith.constant 0 : i32
        %dma_wait3A_229 = tpu.memref_slice %arg5[%sub3A_223, %dma_wait3A_228] : memref<819200x128xf32, #tpu.memory_space<hbm>> -> memref<200x128xf32, #tpu.memory_space<hbm>>
        %dma_wait3A_230 = arith.constant 0 : i32
        %dma_wait3A_231 = tpu.memref_slice %arg7[%mul3A_221, %dma_wait3A_230] : memref<600x128xf32, #tpu.memory_space<vmem>> -> memref<200x128xf32, #tpu.memory_space<vmem>>
        tpu.wait_dma2 semaphore(%arg11 : memref<!tpu.dma_semaphore, #tpu.memory_space<semaphore_mem>>) src(%dma_wait3A_231 : memref<200x128xf32, #tpu.memory_space<vmem>>) dst(%dma_wait3A_229 : memref<200x128xf32, #tpu.memory_space<hbm>>)
      } else {
      }
      %dma_start3A_201 = arith.constant 0 : i32
      %dma_start3A_202 = tpu.memref_slice %arg7[%mul3A_177, %dma_start3A_201] : memref<600x128xf32, #tpu.memory_space<vmem>> -> memref<200x128xf32, #tpu.memory_space<vmem>>
      %dma_start3A_203 = arith.constant 0 : i32
      %dma_start3A_204 = tpu.memref_slice %arg5[%add3A_180, %dma_start3A_203] : memref<819200x128xf32, #tpu.memory_space<hbm>> -> memref<200x128xf32, #tpu.memory_space<hbm>>
      %dma_start3A_205 = arith.constant 0 : i32
      %dma_start3A_206 = tpu.memref_slice %arg5[%add3A_180, %dma_start3A_205] : memref<819200x128xf32, #tpu.memory_space<hbm>> -> memref<200x128xf32, #tpu.memory_space<hbm>>
      %dma_start3A_207 = arith.constant 0 : i32
      %dma_start3A_208 = tpu.memref_slice %arg7[%mul3A_177, %dma_start3A_207] : memref<600x128xf32, #tpu.memory_space<vmem>> -> memref<200x128xf32, #tpu.memory_space<vmem>>
      tpu.enqueue_dma source(%dma_start3A_208 : memref<200x128xf32, #tpu.memory_space<vmem>>) target(%dma_start3A_206 : memref<200x128xf32, #tpu.memory_space<hbm>>) target_semaphore(%arg11 : memref<!tpu.dma_semaphore, #tpu.memory_space<semaphore_mem>>)
      %add3A_209 = arith.constant 2 : i32
      %add3A_210 = arith.addi %scan3A_172, %add3A_209 : i32
      %lt3A_211 = arith.constant 128 : i32
      %lt3A_212 = arith.cmpi slt, %add3A_210, %lt3A_211 : i32
      %convert_element_type3A_213 = arith.extui %lt3A_212 : i1 to i32
      %cond3A_214 = arith.constant 0 : i32
      %cond3A_215 = arith.cmpi ne, %convert_element_type3A_213, %cond3A_214 : i32
      scf.if %cond3A_215 {
        %add3A_217 = arith.constant 2 : i32
        %add3A_218 = arith.addi %scan3A_172, %add3A_217 : i32
        %rem3A_219 = arith.constant 4 : i32
        %rem3A_220 = arith.remsi %add3A_218, %rem3A_219 : i32
        %dma_wait3A_221 = arith.constant 0 : i32
        %dma_wait3A_222 = arith.constant 0 : i32
        %dma_wait3A_223 = tpu.memref_slice %arg6[%rem3A_220, %dma_wait3A_221, %dma_wait3A_222] : memref<4x2x100xi32, #tpu.memory_space<vmem>> -> memref<1x2x100xi32, #tpu.memory_space<vmem>>
        %dma_wait3A_224 = tpu.memref_squeeze %dma_wait3A_223 : memref<1x2x100xi32, #tpu.memory_space<vmem>> -> memref<2x100xi32, #tpu.memory_space<vmem>>
        %dma_wait3A_225 = arith.constant 0 : i32
        %dma_wait3A_226 = arith.constant 0 : i32
        %dma_wait3A_227 = tpu.memref_slice %arg2[%dma_wait3A_225, %dma_wait3A_226] : memref<8192x100xi32, #tpu.memory_space<hbm>> -> memref<2x100xi32, #tpu.memory_space<hbm>>
        %dma_wait3A_228 = arith.constant 0 : i32
        %dma_wait3A_229 = arith.constant 0 : i32
        %dma_wait3A_230 = tpu.memref_slice %arg6[%rem3A_220, %dma_wait3A_228, %dma_wait3A_229] : memref<4x2x100xi32, #tpu.memory_space<vmem>> -> memref<1x2x100xi32, #tpu.memory_space<vmem>>
        %dma_wait3A_231 = tpu.memref_squeeze %dma_wait3A_230 : memref<1x2x100xi32, #tpu.memory_space<vmem>> -> memref<2x100xi32, #tpu.memory_space<vmem>>
        %dma_wait3A_232 = arith.constant 0 : i32
        %dma_wait3A_233 = arith.constant 0 : i32
        %dma_wait3A_234 = tpu.memref_slice %arg2[%dma_wait3A_232, %dma_wait3A_233] : memref<8192x100xi32, #tpu.memory_space<hbm>> -> memref<2x100xi32, #tpu.memory_space<hbm>>
        tpu.wait_dma2 semaphore(%arg9 : memref<!tpu.dma_semaphore, #tpu.memory_space<semaphore_mem>>) src(%dma_wait3A_234 : memref<2x100xi32, #tpu.memory_space<hbm>>) dst(%dma_wait3A_231 : memref<2x100xi32, #tpu.memory_space<vmem>>)
        %add3A_235 = arith.constant 2 : i32
        %add3A_236 = arith.addi %scan3A_172, %add3A_235 : i32
        %rem3A_237 = arith.constant 3 : i32
        %rem3A_238 = arith.remsi %add3A_236, %rem3A_237 : i32
        %rem3A_239 = arith.constant 4 : i32
        %rem3A_240 = arith.remsi %add3A_236, %rem3A_239 : i32
        %mul3A_241 = arith.constant 200 : i32
        %mul3A_242 = arith.muli %rem3A_238, %mul3A_241 : i32
        %dma_start3A_243 = arith.constant 0 : i32
        %dma_start3A_244 = arith.constant 0 : i32
        %dma_start3A_245 = tpu.memref_slice %arg7[%mul3A_242, %dma_start3A_244] : memref<600x128xf32, #tpu.memory_space<vmem>> -> memref<100x128xf32, #tpu.memory_space<vmem>>
        %dma_start3A_246 = arith.constant 0 : i32
        %dma_start3A_247 = tpu.memref_slice %arg6[%rem3A_240, %dma_start3A_243, %dma_start3A_246] : memref<4x2x100xi32, #tpu.memory_space<vmem>> -> memref<1x1x100xi32, #tpu.memory_space<vmem>>
        %dma_start3A_248 = tpu.memref_squeeze %dma_start3A_247 : memref<1x1x100xi32, #tpu.memory_space<vmem>> -> memref<100xi32, #tpu.memory_space<vmem>>
        %dma_start3A_249 = arith.constant 0 : i32
        %dma_start3A_250 = arith.constant 0 : i32
        %dma_start3A_251 = tpu.memref_slice %arg3[%dma_start3A_249, %dma_start3A_250] : memref<100000x128xf32, #tpu.memory_space<hbm>> -> memref<100000x128xf32, #tpu.memory_space<hbm>>
        tpu.enqueue_indirect_dma source(%dma_start3A_251 : memref<100000x128xf32, #tpu.memory_space<hbm>>) target(%dma_start3A_245 : memref<100x128xf32, #tpu.memory_space<vmem>>) offsets(%dma_start3A_248 : memref<100xi32, #tpu.memory_space<vmem>>) semaphore(%arg10 : memref<!tpu.dma_semaphore, #tpu.memory_space<semaphore_mem>>)
        %mul3A_252 = arith.constant 200 : i32
        %mul3A_253 = arith.muli %rem3A_238, %mul3A_252 : i32
        %add3A_254 = arith.constant 100 : i32
        %add3A_255 = arith.addi %mul3A_253, %add3A_254 : i32
        %dma_start3A_256 = arith.constant 1 : i32
        %dma_start3A_257 = arith.constant 0 : i32
        %dma_start3A_258 = tpu.memref_slice %arg7[%add3A_255, %dma_start3A_257] : memref<600x128xf32, #tpu.memory_space<vmem>> -> memref<100x128xf32, #tpu.memory_space<vmem>>
        %dma_start3A_259 = arith.constant 0 : i32
        %dma_start3A_260 = tpu.memref_slice %arg6[%rem3A_240, %dma_start3A_256, %dma_start3A_259] : memref<4x2x100xi32, #tpu.memory_space<vmem>> -> memref<1x1x100xi32, #tpu.memory_space<vmem>>
        %dma_start3A_261 = tpu.memref_squeeze %dma_start3A_260 : memref<1x1x100xi32, #tpu.memory_space<vmem>> -> memref<100xi32, #tpu.memory_space<vmem>>
        %dma_start3A_262 = arith.constant 0 : i32
        %dma_start3A_263 = arith.constant 0 : i32
        %dma_start3A_264 = tpu.memref_slice %arg3[%dma_start3A_262, %dma_start3A_263] : memref<100000x128xf32, #tpu.memory_space<hbm>> -> memref<100000x128xf32, #tpu.memory_space<hbm>>
        tpu.enqueue_indirect_dma source(%dma_start3A_264 : memref<100000x128xf32, #tpu.memory_space<hbm>>) target(%dma_start3A_258 : memref<100x128xf32, #tpu.memory_space<vmem>>) offsets(%dma_start3A_261 : memref<100xi32, #tpu.memory_space<vmem>>) semaphore(%arg10 : memref<!tpu.dma_semaphore, #tpu.memory_space<semaphore_mem>>)
      } else {
      }
      %scan3A_216 = arith.constant 0 : i32
      scf.yield %scan3A_216 : i32
    }
    %scan3A_156 = arith.constant 128 : i32
    %rem3A_157 = arith.constant 127 : i32
    %rem3A_158 = arith.constant 3 : i32
    %rem3A_159 = arith.remsi %rem3A_157, %rem3A_158 : i32
    %mul3A_160 = arith.constant 200 : i32
    %mul3A_161 = arith.muli %rem3A_159, %mul3A_160 : i32
    %add3A_162 = arith.constant 25400 : i32
    %add3A_163 = arith.addi %mul3A_4, %add3A_162 : i32
    %dma_wait3A_164 = arith.constant 0 : i32
    %dma_wait3A_165 = tpu.memref_slice %arg7[%mul3A_161, %dma_wait3A_164] : memref<600x128xf32, #tpu.memory_space<vmem>> -> memref<200x128xf32, #tpu.memory_space<vmem>>
    %dma_wait3A_166 = arith.constant 0 : i32
    %dma_wait3A_167 = tpu.memref_slice %arg5[%add3A_163, %dma_wait3A_166] : memref<819200x128xf32, #tpu.memory_space<hbm>> -> memref<200x128xf32, #tpu.memory_space<hbm>>
    %dma_wait3A_168 = arith.constant 0 : i32
    %dma_wait3A_169 = tpu.memref_slice %arg5[%add3A_163, %dma_wait3A_168] : memref<819200x128xf32, #tpu.memory_space<hbm>> -> memref<200x128xf32, #tpu.memory_space<hbm>>
    %dma_wait3A_170 = arith.constant 0 : i32
    %dma_wait3A_171 = tpu.memref_slice %arg7[%mul3A_161, %dma_wait3A_170] : memref<600x128xf32, #tpu.memory_space<vmem>> -> memref<200x128xf32, #tpu.memory_space<vmem>>
    tpu.wait_dma2 semaphore(%arg11 : memref<!tpu.dma_semaphore, #tpu.memory_space<semaphore_mem>>) src(%dma_wait3A_171 : memref<200x128xf32, #tpu.memory_space<vmem>>) dst(%dma_wait3A_169 : memref<200x128xf32, #tpu.memory_space<hbm>>)
    return
  }
}

</mosaic_0001>

<sc_bundles>
// kernel: _embed.3.cloned.1.call-start
scs
__scs_entry_jumppad:
0x0: {  	(pc) =	sbr.rel $0x88, $3  }
0x1: {  	(tag) =	ssettag $0x0;
	lr =	simm.s32 $0x1  }
0x2: {  	[smem:$0x3F9E] =	sst lr;
	_ =	strace $0xD0000000  }
0x3: {  	_ = 	snop  }
0x4: {  	_ = 	snop  }
0x5: {  	_ = 	snop  }
0x6: {  	_ = 	snop  }
0x7: {  	_ = 	snop  }
__scs_overlays_trampoline_lowered:
0x8: {  	[smem:$0x3FAD] =	sst s0  }
0x9: {  	[smem:$0x3FAE] =	sst s1  }
0xa: {  	[smem:$0x3FAF] =	sst s2  }
0xb: {  	[smem:$0x3FB0] =	sst s3  }
0xc: {  	[smem:$0x3FB1] =	sst s4  }
0xd: {  	[smem:$0x3FB2] =	sst s5  }
0xe: {  	[smem:$0x3FB3] =	sst s6  }
0xf: {  	[smem:$0x3FB4] =	sst s7  }
0x10: {  	[smem:$0x3FB5] =	sst s8  }
0x11: {  	[smem:$0x3FB6] =	sst s9;
	s0 =	simm.s32 @!p0 $0x0  }
0x12: {  	s1 =	sld [smem:$0x3F9C];
	s0 =	simm.s32 @p0 $0x1  }
0x13: {  	[smem:$0x3FB7] =	sst s0;
	s0 =	simm.s32 @!p1 $0x0  }
0x14: {  	s2 =	sld [smem:$0x3F9B];
	s0 =	simm.s32 @p1 $0x1  }
0x15: {  	[smem:$0x3FB8] =	sst s0;
	s0 =	simm.s32 @!p2 $0x0  }
0x16: {  	s3 =	sld [smem:$0x3FDB];
	s0 =	simm.s32 @p2 $0x1  }
0x17: {  	s4 =	simm.s32 $0x1BF5;
	[smem:$0x3FBA] =	sst s0  }
0x18: {  	s0 =	sld [smem:$0x3F9D];
	_ =	swait.ge [sflag:s4], $0x0  }
0x19: {  	s7 =	sld [smem:$0x3F9E]  }
0x1a: {  	s8 =	sadd.s32 $0xFFFFE003, lr  }
0x1b: {  	s9 =	sadd.s32 $0xFFFFFEF7, lr;
	s5 =	simm.s32 $0xFFFFFFFF;
	p2 =	slt.u32 s8, $0xFFFFF086  }
0x1c: {  	p1 =	slt.u32 s9, $0xF7A;
	s5 =	simm.s32 @!p2 $0x0  }
0x1d: {  	s5 =	simm.s32 @p1 $0x1;
	p0 =	seq.s32 s7, s2  }
0x1e: {  	s7 =	smul.u32 @!p0 $0xF7A, s2;
	p2 =	seq.s32 @!p0 s5, $0x0  }
0x1f: {  	s9 =	smul.u32 $0xF7A, s1;
	s8 =	simm.s32 @!p0 $0x1BF5;
	p2 =	por !p2, p0  }
0x20: {  	[sflag:s8] =	ssyncset.s32 @!p0 $0xFFFFF086;
	s6 =	sadd.s32 @!p0 s3, s7;
	s7 =	simm.s32 @!p0 $0x108  }
0x21: {  	s3 =	sadd.s32 s3, s9;
	s6 =	sadd.s32 @!p0 $0x88, s6;
	s7 =	simm.s32 @p2 $0x1082  }
0x22: {  	[simem:s7], [sflag:s8] =	dma.local @!p0 [hbm:s6], $0xF7A  }
0x23: {  	s9 =	sor.u32 $0xD0000000, s2;
	s6 =	simm.s32 $0x108;
	_ =	swait.ge @!p0 [sflag:s8], $0x0  }
0x24: {  	s3 =	sadd.s32 $0x88, s3;
	s6 =	simm.s32 @!p1 $0x1082;
	[sflag:s4] =	ssyncset.s32 $0xFFFFF086  }
0x25: {  	[simem:s6], [sflag:s4] =	dma.local [hbm:s3], $0xF7A  }
0x26: {  	[smem:$0x3F9E] =	sst s1;
	(tag) =	ssettag s2;
	_ =	strace s9  }
0x27: {  	s1 =	sld [smem:$0x3FAE]  }
0x28: {  	s2 =	sld [smem:$0x3FAF]  }
0x29: {  	s4 =	sld [smem:$0x3FB1]  }
0x2a: {  	p0 =	seq.s32 s5, $0x0;
	s5 =	sld [smem:$0x3FB2]  }
0x2b: {  	s6 =	sld [smem:$0x3FB3]  }
0x2c: {  	s7 =	sld [smem:$0x3FB4]  }
0x2d: {  	s3 =	simm.s32 $0x108;
	s8 =	sld [smem:$0x3FB5]  }
0x2e: {  	s3 =	simm.s32 @!p0 $0x1082;
	s9 =	sld [smem:$0x3FB6]  }
0x2f: {  	lr =	sadd.s32 s0, s3;
	s0 =	sld [smem:$0x3FAD]  }
0x30: {  	s3 =	sld [smem:$0x3FB0]  }
0x31: {  	[smem:$0x3FB9] =	sst s10  }
0x32: {  	s10 =	sld [smem:$0x3FB7];
	_ =	sdelay $0x3  }
0x33: {  	p0 =	seq.s32 s10, $0x1;
	s10 =	sld [smem:$0x3FB9];
	_ =	sdelay $0x3  }
0x34: {  	[smem:$0x3FB9] =	sst s10  }
0x35: {  	s10 =	sld [smem:$0x3FB8];
	_ =	sdelay $0x3  }
0x36: {  	p1 =	seq.s32 s10, $0x1;
	s10 =	sld [smem:$0x3FB9];
	_ =	sdelay $0x3  }
0x37: {  	[smem:$0x3FB9] =	sst s10  }
0x38: {  	s10 =	sld [smem:$0x3FBA]  }
0x39: {  	_ = 	snop;
	(pc) =	sbr.ind lr, $3  }
0x3a: {  	_ = 	snop  }
0x3b: {  	_ = 	snop  }
0x3c: {  	p2 =	seq.s32 s10, $0x1;
	s10 =	sld [smem:$0x3FB9]  }
0x3d: {  	_ =	shalt  }
0x3e: {  	_ =	shalt  }
0x3f: {  	_ =	shalt  }
0x40: {  	_ =	shalt  }
0x41: {  	_ =	shalt  }
0x42: {  	_ =	shalt  }
0x43: {  	_ =	shalt  }
0x44: {  	_ =	shalt  }
0x45: {  	_ =	shalt  }
0x46: {  	_ =	shalt  }
0x47: {  	_ =	shalt  }
0x48: {  	_ =	shalt  }
0x49: {  	_ =	shalt  }
0x4a: {  	_ =	shalt  }
0x4b: {  	_ =	shalt  }
0x4c: {  	_ =	shalt  }
0x4d: {  	_ =	shalt  }
0x4e: {  	_ =	shalt  }
0x4f: {  	_ =	shalt  }
0x50: {  	_ =	shalt  }
0x51: {  	_ =	shalt  }
0x52: {  	_ =	shalt  }
0x53: {  	_ =	shalt  }
0x54: {  	_ =	shalt  }
0x55: {  	_ =	shalt  }
0x56: {  	_ =	shalt  }
0x57: {  	_ =	shalt  }
0x58: {  	_ =	shalt  }
0x59: {  	_ =	shalt  }
0x5a: {  	_ =	shalt  }
0x5b: {  	_ =	shalt  }
0x5c: {  	_ =	shalt  }
0x5d: {  	_ =	shalt  }
0x5e: {  	_ =	shalt  }
0x5f: {  	_ =	shalt  }
0x60: {  	_ =	shalt  }
0x61: {  	_ =	shalt  }
0x62: {  	_ =	shalt  }
0x63: {  	_ =	shalt  }
0x64: {  	_ =	shalt  }
0x65: {  	_ =	shalt  }
0x66: {  	_ =	shalt  }
0x67: {  	_ =	shalt  }
0x68: {  	_ =	shalt  }
0x69: {  	_ =	shalt  }
0x6a: {  	_ =	shalt  }
0x6b: {  	_ =	shalt  }
0x6c: {  	_ =	shalt  }
0x6d: {  	_ =	shalt  }
0x6e: {  	_ =	shalt  }
0x6f: {  	_ =	shalt  }
0x70: {  	_ =	shalt  }
0x71: {  	_ =	shalt  }
0x72: {  	_ =	shalt  }
0x73: {  	_ =	shalt  }
0x74: {  	_ =	shalt  }
0x75: {  	_ =	shalt  }
0x76: {  	_ =	shalt  }
0x77: {  	_ =	shalt  }
0x78: {  	_ =	shalt  }
0x79: {  	_ =	shalt  }
0x7a: {  	_ =	shalt  }
0x7b: {  	_ =	shalt  }
0x7c: {  	_ =	shalt  }
0x7d: {  	_ =	shalt  }
0x7e: {  	_ =	shalt  }
0x7f: {  	_ =	shalt  }
0x80: {  	_ =	shalt  }
0x81: {  	_ =	shalt  }
0x82: {  	_ =	shalt  }
0x83: {  	_ =	shalt  }
0x84: {  	_ =	shalt  }
0x85: {  	_ =	shalt  }
0x86: {  	_ =	shalt  }
0x87: {  	_ =	shalt  }
.Lfunc_end0:
.L_simem_size_0:
called_computation_lowered:
.L_overlay_start_0:
0x88: {  	s2 =	sld [smem:$0x3FD9]  }
0x89: {  	s3 =	sld [smem:$0x3FFE];
	_ =	sdelay $0x1  }
0x8a: {  	s1 =	srdreg.scid  }
0x8b: {  	s0 =	sand.u32 $0x1, s1  }
0x8c: {  	s17 =	sshll.u32 s0, $0xA;
	s2 =	sadd.s32 s3, s2  }
0x8d: {  	s2 =	sadd.s32 s2, s17  }
0x8e: {  	[smem:$0x3FC5] =	sst s2  }
0x8f: {  	_ = 	snop  }
0x90: {  	s2 =	sld [smem:$0x3FC8]  }
0x91: {  	s18 =	sld [smem:$0x3FC7]  }
0x92: {  	s4 =	sld [smem:$0x3FD0];
	(tm) =	ssettm $0x1  }
0x93: {  	s5 =	sld [smem:$0x3FFB];
	_ =	sdelay $0x3  }
0x94: {  	_ =	strace s5  }
0x95: {  	s5 =	sld [smem:$0x3FFC];
	_ =	sdelay $0x3  }
0x96: {  	_ =	strace s5  }
0x97: {  	s5 =	sld [smem:$0x3FFD];
	_ =	sdelay $0x3  }
0x98: {  	_ =	strace s5  }
0x99: {  	_ =	strace $0x8FFFFFFF  }
0x9a: {  	s19 =	sld [smem:$0x3FDB];
	_ =	sdelay $0x1  }
0x9b: {  	s6 =	simm.s32 $_scs_section_size  }
0x9c: {  	s7 =	simm.s32 $_size__tile_overlayer_lowered;
	s8 =	simm.s32 $_tile_overlayer_lowered  }
0x9d: {  	s22 =	simm.s32 $0x1BFF;
	s21 =	sshll.u32 s8, $0x1;
	s5 =	sadd.s32 s6, s19  }
0x9e: {  	s9 =	simm.s32 $0x0;
	s20 =	sshll.u32 s7, $0x1;
	s7 =	sadd.s32 s21, s5  }
0x9f: {  	[timem:s9], [sflag:s22] =	dma.local [hbm:s7], s20  }
0xa0: {  	_ =	swait.ge [sflag:s22], s20  }
0xa1: {  	s6 =	ssub.s32 $0x0, s20;
	[sflag:s22] =	ssyncset.done $0x0  }
0xa2: {  	[sflag:s22] =	ssyncadd.s32 s6;
	_ =	sdelay $0x1  }
0xa3: {  	s23 =	simm.s32 $0x1B8B  }
0xa4: {  	_ =	swait.ge [sflag:s23], $0x1  }
0xa5: {  	[sflag:s23] =	ssyncset.done $0x0  }
0xa6: {  	s25 =	simm.s32 $0x1B8E;
	s24 =	sld [smem:$0x3FFE];
	[sflag:s23] =	ssyncadd.s32 $0xFFFFFFFF  }
0xa7: {  	s26 =	simm.s32 $execute0_lowered;
	[smem:$0x3FD2] =	sst s25  }
0xa8: {  	s7 =	sshll.u32 s26, $0x1;
	_ =	strace $0x80000046;
	[dreg:$0x1] =	wrdreg $0xFFFFFFFF  }
0xa9: {  	s28 =	simm.s32 $_size_execute0_lowered;
	s5 =	sadd.s32 s5, s7;
	[dreg:$0x0] =	wrdreg $0x0  }
0xaa: {  	s7 =	sshll.u32 s28, $0x1;
	[dreg:$0x2] =	wrdreg s5  }
0xab: {  	[dreg:$0x3] =	wrdreg s7  }
0xac: {  	[dreg:$0x4] =	wrdreg $0xC0  }
0xad: {  	_ =	task [dreg:s9], $0x5FFFF  }
0xae: {  	[dreg:$0x1] =	wrdreg $0xFFFFFFFF  }
0xaf: {  	[dreg:$0x0] =	wrdreg $0x60  }
0xb0: {  	[dreg:$0x2] =	wrdreg s24  }
0xb1: {  	[dreg:$0x3] =	wrdreg s2  }
0xb2: {  	[dreg:$0x4] =	wrdreg s18  }
0xb3: {  	[dreg:$0x5] =	wrdreg s4  }
0xb4: {  	[dreg:$0x6] =	wrdreg $0x9  }
0xb5: {  	_ =	task.clear_ibuf [dreg:s9], $0x7FFFF;
	_ =	strace $0x90000046  }
0xb6: {  	s29 =	simm.s32 $0x9;
	_ =	strace $0x80000048  }
0xb7: {  	_ =	swait.ge [sflag:s29], $0x1  }
0xb8: {  	[sflag:s29] =	ssyncadd.s32 $0xFFFFFFFF  }
0xb9: {  	_ =	strace $0x90000048  }
0xba: {  	_ =	sfence  }
0xbb: {  	s30 =	sld [smem:$0x0];
	_ =	sdelay $0x2  }
0xbc: {  	s31 =	sshll.u32 s1, $0xD;
	s1 =	sshrl.u32 s1, $0x2  }
0xbd: {  	s3 =	sand.u32 $0x4000, s31;
	s1 =	sadd.s32 s1, s30  }
0xbe: {  	s0 =	sor.u32 s3, s0;
	s1 =	sshll.u32 s1, $0x11  }
0xbf: {  	s0 =	sor.u32 s1, s0  }
0xc0: {  	s0 =	sadd.s32 $0x8F2B, s0  }
0xc1: {  	[sflag:s0] =	ssyncadd.remote.s32 $0x1  }
0xc2: {  	_ =	sfence.sel $0xFFFF  }
0xc3: {  	[dreg:$0x0] =	wrdreg $0xFFFFFFFF;
	(pc) =	sbr.abs _section_cstart, $3  }
0xc4: {  	[dreg:$0x1] =	wrdreg $0xFFFFFFFF  }
0xc5: {  	_ =	task.clear_ibuf [dreg:s9], $0x2FFFF;
	_ =	strace $0x9FFFFFFF  }
0xc6: {  	(tm) =	ssettm $0x7FFFFFFF  }
0xc7: {  	_ =	shalt  }
tec
execute0_lowered:
.L_overlay_start_1:
0x0: {  	(tag) =	ssettag $0x1  }
0x1: {  	s0 =	rddreg [dreg:$0x0]  }
0x2: {  	s1 =	rddreg [dreg:$0x1]  }
0x3: {  	s4 =	rddreg [dreg:$0x3]  }
0x4: {  	s2 =	srdreg.scid;
	s3 =	stileid.u32;
	s5 =	simm.s32 $0x0  }
0x5: {  	s14 =	simm.s32 $0x4;
	s15 =	simm.s32 $0x100;
	s17 =	simm.s32 $0x1  }
0x6: {  	s18 =	simm.s32 $0x64;
	s22 =	simm.s32 $0x180;
	s23 =	simm.s32 $0x9A00  }
0x7: {  	s24 =	simm.s32 $0x2;
	s25 =	simm.s32 $0x3;
	s26 =	simm.s32 $0x0  }
0x8: {  	s2 =	sand.u32 $0x1, s2;
	s3 =	sshll.u32 s3, $0x1;
	[smem:$0x7FF] =	sst s5  }
0x9: {  	s6 =	sadd.s32 $0x400, s0;
	s8 =	ssub.s32 $0x2, s2;
	s2 =	sor.u32 s2, s3  }
0xa: {  	_ =	strace $0x80000047;
	s31 =	sshrl.u32 s8, $0x1;
	s7 =	sshll.u32 s2, $0xC  }
0xb: {  	s9 =	smul.u32 $0x6400, s2;
	s0 =	ssub.s32 s8, s31;
	s8 =	sadd.s32 s6, s7  }
0xc: {  	s10 =	sadd.s32 $0x20, s8;
	s11 =	sadd.s32 $0x40, s8;
	s12 =	smax.u32 s0, $0x1  }
.LBB2_1:
0xd: {  	s0 =	rddreg [dreg:$0x2];
	s2 =	simm.s32 $0x13000  }
0xe: {  	[tilespmem:s2], [sflag:$0x4] =	stream.linear.gather [hbm4b:s0+s5], $0x6400, $0x38;
	[tilespmem:$0x19400] =	vst v63  }
0xf: {  	_ =	swait.ge [sflag:s14], $0x6400  }
0x10: {  	[sflag:s14] =	ssyncset.done $0x0  }
0x11: {  	[sflag:s14] =	ssyncadd.s32 $0xFFFF9C00  }
0x12: {  	[tilespmem:s5], [sflag:$0x1] =	stream.linear.gather [hbm4b:s8+s5], $0x100, $0x38;
	[tilespmem:$0x19400] =	vst v63  }
0x13: {  	_ = 	snop  }
0x14: {  	[tilespmem:s15], [sflag:$0x1] =	stream.linear.gather [hbm4b:s10+s5], $0x100, $0x38;
	[tilespmem:$0x19400] =	vst v63  }
0x15: {  	s20 =	simm.s32 $0x200  }
0x16: {  	[tilespmem:s20], [sflag:$0x1] =	stream.linear.gather [hbm4b:s11+s5], $0x100, $0x38;
	[tilespmem:$0x19400] =	vst v63  }
0x17: {  	_ =	swait.ge [sflag:s17], $0x100  }
0x18: {  	[sflag:s17] =	ssyncset.done $0x0  }
0x19: {  	s28 =	simm.s32 $0x400;
	[sflag:s17] =	ssyncadd.s32 $0xFFFFFF00  }
0x1a: {  	[tilespmem:s28], [sflag:$0x2] =	stream.indirect.gather [hbm4b:s1+s18], $0x80, s5, s18, $0xb8;
	[tilespmem:$0x19400] =	vst v63  }
0x1b: {  	s21 =	simm.s32 $0x80;
	s30 =	simm.s32 $0x3600  }
0x1c: {  	[tilespmem:s30], [sflag:$0x2] =	stream.indirect.gather [hbm4b:s1+s18], $0x80, s21, s18, $0xb8;
	[tilespmem:$0x19400] =	vst v63  }
0x1d: {  	_ =	swait.ge [sflag:s17], $0x100  }
0x1e: {  	[sflag:s17] =	ssyncset.done $0x0  }
0x1f: {  	s31 =	simm.s32 $0x6800;
	[sflag:s17] =	ssyncadd.s32 $0xFFFFFF00  }
0x20: {  	[tilespmem:s31], [sflag:$0x2] =	stream.indirect.gather [hbm4b:s1+s18], $0x80, s15, s18, $0xb8;
	[tilespmem:$0x19400] =	vst v63  }
0x21: {  	s29 =	simm.s32 $0x0  }
0x22: {  	[tilespmem:s23], [sflag:$0x2] =	stream.indirect.gather [hbm4b:s1+s18], $0x80, s22, s18, $0xb8;
	[tilespmem:$0x19400] =	vst v63  }
.LBB2_2:
0x23: {  	p0 =	sgt.u32 s29, $0x7C  }
0x24: {  	s0 =	sadd.s32 @!p0 $0x3, s29  }
0x25: {  	s2 =	sshll.u32 @!p0 s0, $0x5  }
0x26: {  	s3 =	sadd.s32 @!p0 s7, s2;
	s2 =	sand.u32 @!p0 $0x60, s2  }
0x27: {  	s0 =	sshll.u32 @!p0 s0, $0x8;
	s3 =	sand.u32 @!p0 $0x3FF80, s3;
	s2 =	sadd.s32 @!p0 s6, s2  }
0x28: {  	s0 =	sand.u32 @!p0 $0x300, s0;
	s2 =	sadd.s32 @!p0 s3, s2;
	s3 =	simm.s32 @!p0 $0x0  }
0x29: {  	[tilespmem:s0], [sflag:$0x1] =	stream.linear.gather @!p0 [hbm4b:s2+s3], $0x100, $0x38;
	[tilespmem:$0x19400] =	vst v63  }
0x2a: {  	s20 =	smulhi.u32 $0xAAAAAAAB, s29;
	_ =	swait.ge [sflag:s24], $0x6400  }
0x2b: {  	[sflag:s24] =	ssyncset.done $0x0  }
0x2c: {  	s21 =	simm.s32 $0x0;
	s0 =	sshrl.u32 s20, $0x1;
	[sflag:s24] =	ssyncadd.s32 $0xFFFF9C00  }
0x2d: {  	s0 =	smul.u32 $0xFFFB5000, s0;
	v0 =	vld [tilespmem:s21+$0x13080];
	_ =	sdelay $0x1  }
0x2e: {  	s0 =	sshra.s32 s0, $0x2;
	v1 =	vld [tilespmem:s21+$0x13000]  }
0x2f: {  	s31 =	sadd.s32 s0, s28  }
0x30: {  	s30 =	sadd.s32 $0x0, s31  }
0x31: {  	[tilespmem:s30+$0x80] =	vst.add.f32.msk $0xffff, v0  }
0x32: {  	v0 =	vld [tilespmem:s21+$0x13090]  }
0x33: {  	[tilespmem:s30+$0x0] =	vst.add.f32.msk $0xffff, v1  }
0x34: {  	v1 =	vld [tilespmem:s21+$0x13010];
	_ =	sdelay $0x2  }
0x35: {  	[tilespmem:s30+$0x90] =	vst.add.f32.msk $0xffff, v0  }
0x36: {  	v0 =	vld [tilespmem:s21+$0x130A0]  }
0x37: {  	[tilespmem:s30+$0x10] =	vst.add.f32.msk $0xffff, v1  }
0x38: {  	v1 =	vld [tilespmem:s21+$0x13020];
	_ =	sdelay $0x2  }
0x39: {  	[tilespmem:s30+$0xA0] =	vst.add.f32.msk $0xffff, v0  }
0x3a: {  	v0 =	vld [tilespmem:s21+$0x130B0]  }
0x3b: {  	[tilespmem:s30+$0x20] =	vst.add.f32.msk $0xffff, v1  }
0x3c: {  	v1 =	vld [tilespmem:s21+$0x13030];
	_ =	sdelay $0x2  }
0x3d: {  	[tilespmem:s30+$0xB0] =	vst.add.f32.msk $0xffff, v0  }
0x3e: {  	v0 =	vld [tilespmem:s21+$0x130C0]  }
0x3f: {  	[tilespmem:s30+$0x30] =	vst.add.f32.msk $0xffff, v1  }
0x40: {  	v1 =	vld [tilespmem:s21+$0x13040]  }
0x41: {  	s2 =	simm.s32 $0x100  }
0x42: {  	v2 =	vld [tilespmem:s2+$0x13080]  }
0x43: {  	[tilespmem:s30+$0xC0] =	vst.add.f32.msk $0xffff, v0  }
0x44: {  	v0 =	vld [tilespmem:s21+$0x130D0]  }
0x45: {  	[tilespmem:s30+$0x40] =	vst.add.f32.msk $0xffff, v1  }
0x46: {  	s0 =	sadd.s32 $0x100, s31;
	v1 =	vld [tilespmem:s2+$0x13000]  }
0x47: {  	[tilespmem:s0+$0x80] =	vst.add.f32.msk $0xffff, v2  }
0x48: {  	v2 =	vld [tilespmem:s2+$0x13090]  }
0x49: {  	[tilespmem:s30+$0xD0] =	vst.add.f32.msk $0xffff, v0  }
0x4a: {  	v0 =	vld [tilespmem:s21+$0x130E0]  }
0x4b: {  	[tilespmem:s0+$0x0] =	vst.add.f32.msk $0xffff, v1  }
0x4c: {  	v1 =	vld [tilespmem:s2+$0x13010]  }
0x4d: {  	[tilespmem:s0+$0x90] =	vst.add.f32.msk $0xffff, v2  }
0x4e: {  	v2 =	vld [tilespmem:s2+$0x130A0]  }
0x4f: {  	[tilespmem:s30+$0xE0] =	vst.add.f32.msk $0xffff, v0  }
0x50: {  	v0 =	vld [tilespmem:s21+$0x130F0]  }
0x51: {  	[tilespmem:s0+$0x10] =	vst.add.f32.msk $0xffff, v1  }
0x52: {  	v1 =	vld [tilespmem:s2+$0x13020]  }
0x53: {  	[tilespmem:s0+$0xA0] =	vst.add.f32.msk $0xffff, v2  }
0x54: {  	v3 =	vld [tilespmem:s21+$0x13050]  }
0x55: {  	[tilespmem:s30+$0xF0] =	vst.add.f32.msk $0xffff, v0  }
0x56: {  	v0 =	vld [tilespmem:s2+$0x130B0]  }
0x57: {  	[tilespmem:s0+$0x20] =	vst.add.f32.msk $0xffff, v1  }
0x58: {  	v1 =	vld [tilespmem:s2+$0x13030]  }
0x59: {  	[tilespmem:s30+$0x50] =	vst.add.f32.msk $0xffff, v3  }
0x5a: {  	v2 =	vld [tilespmem:s21+$0x13060]  }
0x5b: {  	s13 =	smul.u32 $0xAB, s29;
	[tilespmem:s0+$0xB0] =	vst.add.f32.msk $0xffff, v0  }
0x5c: {  	v3 =	vld [tilespmem:s2+$0x130C0]  }
0x5d: {  	s13 =	sshrl.u32 s13, $0x9;
	[tilespmem:s0+$0x30] =	vst.add.f32.msk $0xffff, v1  }
0x5e: {  	s13 =	sand.u32 $0x7F, s13;
	v1 =	vld [tilespmem:s2+$0x13040]  }
0x5f: {  	s13 =	smul.u32 $0x3, s13;
	[tilespmem:s30+$0x60] =	vst.add.f32.msk $0xffff, v2  }
0x60: {  	s16 =	smul.u32 $0xC8, s29;
	v0 =	vld [tilespmem:s21+$0x13070]  }
0x61: {  	s19 =	simm.s32 $0x800;
	s13 =	ssub.s32 s29, s13;
	[tilespmem:s0+$0xC0] =	vst.add.f32.msk $0xffff, v3  }
0x62: {  	s3 =	sadd.s32 s9, s16;
	s16 =	simm.s32 $0x2;
	s13 =	sand.u32 $0xFF, s13;
	v2 =	vld [tilespmem:s2+$0x130D0]  }
.LBB2_3:
0x63: {  	s20 =	sshra.s32 s19, $0x2;
	s16 =	sadd.s32 $0x2, s16;
	[tilespmem:s0+$0x40] =	vst.add.f32.msk $0xffff, v1  }
0x64: {  	v1 =	vld [tilespmem:s20+$0x13080];
	p0 =	slt.u32 s16, $0xC6  }
0x65: {  	v3 =	vld [tilespmem:s20+$0x13000]  }
0x66: {  	v4 =	vld [tilespmem:s2+$0x13050]  }
0x67: {  	[tilespmem:s0+$0xD0] =	vst.add.f32.msk $0xffff, v2  }
0x68: {  	s21 =	sadd.s32 s20, s31;
	v2 =	vld [tilespmem:s2+$0x130E0]  }
0x69: {  	[tilespmem:s21+$0x80] =	vst.add.f32.msk $0xffff, v1  }
0x6a: {  	v1 =	vld [tilespmem:s20+$0x13090]  }
0x6b: {  	[tilespmem:s21+$0x0] =	vst.add.f32.msk $0xffff, v3  }
0x6c: {  	v3 =	vld [tilespmem:s20+$0x13010]  }
0x6d: {  	[tilespmem:s0+$0xE0] =	vst.add.f32.msk $0xffff, v2  }
0x6e: {  	v2 =	vld [tilespmem:s2+$0x130F0]  }
0x6f: {  	[tilespmem:s21+$0x90] =	vst.add.f32.msk $0xffff, v1  }
0x70: {  	v1 =	vld [tilespmem:s20+$0x130A0]  }
0x71: {  	[tilespmem:s21+$0x10] =	vst.add.f32.msk $0xffff, v3  }
0x72: {  	v3 =	vld [tilespmem:s20+$0x13020]  }
0x73: {  	[tilespmem:s0+$0xF0] =	vst.add.f32.msk $0xffff, v2  }
0x74: {  	[tilespmem:s0+$0x50] =	vst.add.f32.msk $0xffff, v4  }
0x75: {  	[tilespmem:s21+$0xA0] =	vst.add.f32.msk $0xffff, v1  }
0x76: {  	v1 =	vld [tilespmem:s20+$0x130B0]  }
0x77: {  	[tilespmem:s21+$0x20] =	vst.add.f32.msk $0xffff, v3  }
0x78: {  	v2 =	vld [tilespmem:s20+$0x13030]  }
0x79: {  	v3 =	vld [tilespmem:s2+$0x13060]  }
0x7a: {  	[tilespmem:s30+$0x70] =	vst.add.f32.msk $0xffff, v0;
	s30 =	smov.u32 s0;
	s0 =	smov.u32 s21  }
0x7b: {  	[tilespmem:s0+$0xB0] =	vst.add.f32.msk $0xffff, v1  }
0x7c: {  	v4 =	vld [tilespmem:s20+$0x130C0]  }
0x7d: {  	[tilespmem:s0+$0x30] =	vst.add.f32.msk $0xffff, v2  }
.Ltmp0:
0x7e: {  	v1 =	vld [tilespmem:s20+$0x13040];
	(pc) =	sbr.rel @p0 .LBB2_3-.Ltmp0, $4  }
0x7f: {  	[tilespmem:s30+$0x60] =	vst.add.f32.msk $0xffff, v3  }
0x80: {  	v0 =	vld [tilespmem:s2+$0x13070];
	s2 =	smov.u32 s20  }
0x81: {  	[tilespmem:s0+$0xC0] =	vst.add.f32.msk $0xffff, v4  }
0x82: {  	s19 =	sadd.s32 $0x400, s19;
	v2 =	vld [tilespmem:s2+$0x130D0]  }
0x83: {  	[tilespmem:s0+$0x40] =	vst.add.f32.msk $0xffff, v1  }
0x84: {  	v1 =	vld [tilespmem:s2+$0x13050];
	_ =	sdelay $0x2  }
0x85: {  	[tilespmem:s0+$0xD0] =	vst.add.f32.msk $0xffff, v2  }
0x86: {  	v2 =	vld [tilespmem:s2+$0x130E0]  }
0x87: {  	[tilespmem:s0+$0x50] =	vst.add.f32.msk $0xffff, v1  }
0x88: {  	v1 =	vld [tilespmem:s2+$0x13060];
	_ =	sdelay $0x2  }
0x89: {  	[tilespmem:s0+$0xE0] =	vst.add.f32.msk $0xffff, v2  }
0x8a: {  	v2 =	vld [tilespmem:s2+$0x130F0]  }
0x8b: {  	[tilespmem:s0+$0x60] =	vst.add.f32.msk $0xffff, v1  }
0x8c: {  	v1 =	vld [tilespmem:s2+$0x13070];
	_ =	sdelay $0x2  }
0x8d: {  	[tilespmem:s30+$0x70] =	vst.add.f32.msk $0xffff, v0  }
0x8e: {  	p1 =	seq.s32 s29, $0x0;
	p0 =	sgt.u32 s29, $0x7D;
	[tilespmem:s0+$0xF0] =	vst.add.f32.msk $0xffff, v2  }
0x8f: {  	s2 =	sadd.s32 @!p0 $0x2, s29;
	[tilespmem:s0+$0x70] =	vst.add.f32.msk $0xffff, v1;
	s0 =	simm.s32 @!p1 $0x3  }
0x90: {  	s16 =	smul.u32 @!p0 $0xAB, s2;
	_ =	swait.ge @!p1 [sflag:s0], $0x6400  }
0x91: {  	s13 =	smul.u32 $0x19000, s13;
	[sflag:s0] =	ssyncset.done @!p1 $0x0  }
0x92: {  	[sflag:s0] =	ssyncadd.s32 @!p1 $0xFFFF9C00;
	s0 =	sshrl.u32 @!p0 s16, $0x9  }
0x93: {  	s3 =	sshll.u32 s3, $0x4;
	s13 =	sshrl.u32 s13, $0x2;
	s0 =	sand.u32 @!p0 $0x7F, s0  }
0x94: {  	s3 =	sadd.s32 s4, s3;
	s13 =	sadd.s32 $0x400, s13;
	s0 =	smul.u32 @!p0 $0x3, s0  }
0x95: {  	[hbm4b:s3+s5] =	stream.linear.scatter [tilespmem:s13], [sflag:$0x3], $0x6400, $0x38;
	[tilespmem:$0x19400] =	vst v63  }
0x96: {  	s0 =	ssub.s32 @!p0 s2, s0  }
0x97: {  	s0 =	sand.u32 @!p0 $0xFF, s0  }
0x98: {  	s3 =	simm.s32 @!p0 $0x1;
	s0 =	smul.u32 @!p0 $0x19000, s0  }
0x99: {  	s13 =	simm.s32 @!p0 $0x64;
	_ =	swait.ge @!p0 [sflag:s3], $0x100  }
0x9a: {  	[sflag:s3] =	ssyncset.done @!p0 $0x0;
	s2 =	sshll.u32 @!p0 s2, $0x8;
	s0 =	sshrl.u32 @!p0 s0, $0x2  }
0x9b: {  	[sflag:s3] =	ssyncadd.s32 @!p0 $0xFFFFFF00;
	s2 =	sand.u32 @!p0 $0x300, s2;
	s3 =	sadd.s32 @!p0 $0x400, s0  }
0x9c: {  	[tilespmem:s3], [sflag:$0x2] =	stream.indirect.gather @!p0 [hbm4b:s1+s13], $0x80, s2, s13, $0xb8;
	[tilespmem:$0x19400] =	vst v63  }
0x9d: {  	s29 =	sadd.s32 $0x1, s29;
	s0 =	sadd.s32 @!p0 $0x3600, s0;
	s2 =	sor.u32 @!p0 $0x80, s2  }
0x9e: {  	[tilespmem:s0], [sflag:$0x2] =	stream.indirect.gather @!p0 [hbm4b:s1+s13], $0x80, s2, s13, $0xb8;
	[tilespmem:$0x19400] =	vst v63  }
0x9f: {  	p0 =	sne.s32 s29, $0x80  }
.Ltmp1:
0xa0: {  	_ = 	snop;
	(pc) =	sbr.rel @p0 .LBB2_2-.Ltmp1, $2  }
0xa1: {  	_ =	sdelay $0x2  }
0xa2: {  	s28 =	sadd.s32 $0x6400, s28  }
0xa3: {  	s26 =	sadd.s32 $0x1, s26  }
0xa4: {  	p0 =	sne.s32 s26, s12  }
.Ltmp2:
0xa5: {  	_ = 	snop;
	(pc) =	sbr.rel @p0 .LBB2_1-.Ltmp2, $4  }
0xa6: {  	_ = 	snop  }
0xa7: {  	_ =	swait.ge [sflag:s25], $0x6400  }
0xa8: {  	[sflag:s25] =	ssyncset.done $0x0  }
0xa9: {  	[sflag:s25] =	ssyncadd.s32 $0xFFFF9C00  }
0xaa: {  	_ =	sfence.sel $0x180000  }
0xab: {  	[bflag:$0x0] =	sbarrier.arrive $0xFFFF  }
0xac: {  	_ =	strace $0x90000047  }
0xad: {  	s0 =	stileid.u32;
	[bflag:$0x2] =	sbarrier.arrive $0xFFFF  }
0xae: {  	p0 =	sne.s32 s0, $0x0;
	s0 =	rddreg [dreg:$0x4]  }
0xaf: {  	s0 =	sadd.s32 @!p0 $0x100000, s0  }
0xb0: {  	[sflag:s0] =	ssyncadd.tile.s32 @!p0 $0x1;
	_ =	shalt  }
.Lfunc_end2:
_tile_overlayer_lowered:
.L_overlay_start_2:
0xb1: {  	(tag) =	ssettag $0x2  }
0xb2: {  	s0 =	rddreg [dreg:$0x0];
	s2 =	stileid.u32  }
0xb3: {  	s1 =	rddreg [dreg:$0x1];
	p0 =	sne.s32 s2, $0x0  }
0xb4: {  	s3 =	rddreg [dreg:$0x2];
	[bflag:$0x3] =	sbarrier.arrive $0xFFFF;
	s2 =	simm.s32 @!p0 $0x1C04  }
0xb5: {  	[timem:s3], [sflag:s2] =	dma.local @!p0 [hbm:s0], s1  }
0xb6: {  	s0 =	simm.s32 @!p0 $0x4  }
0xb7: {  	_ =	swait.ge @!p0 [sflag:s0], s1  }
0xb8: {  	s1 =	ssub.s32 @!p0 $0x0, s1;
	[sflag:s0] =	ssyncset.done @!p0 $0x0  }
0xb9: {  	[sflag:s0] =	ssyncadd.s32 @!p0 s1  }
0xba: {  	[bflag:$0x3] =	sbarrier.arrive $0xFFFF  }
0xbb: {  	_ =	shalt  }

</sc_bundles>
